<compile_context>
chip_gen: v7x
topology: tpu7x:2x2x1
jax: 0.10.2.dev20260603
libtpu: 0.0.44.dev20260713+nightly
codegen_flags: <defaults>
</compile_context>

<pallas_src>
import functools

import jax
import jax.numpy as jnp
from jax import lax
from jax.experimental import pallas as pl
from jax.experimental.pallas import tpu as pltpu
from jax.experimental.pallas import tpu_sc as plsc

_GROUPS = 32
_BETA = 0.25



def _conv(x, p, stride=1, pad=0):
    out = lax.conv_general_dilated(x, p['w'], (stride, stride), ((pad, pad), (pad, pad)),
                                   dimension_numbers=('NCHW', 'OIHW', 'NCHW'))
    return out + p['b'][None, :, None, None]


def _gn(x, p, eps=1e-6):
    B, C, H, W = x.shape
    xg = x.reshape(B, _GROUPS, C // _GROUPS, H, W)
    mu = xg.mean(axis=(2, 3, 4), keepdims=True)
    var = xg.var(axis=(2, 3, 4), keepdims=True)
    xn = ((xg - mu) / jnp.sqrt(var + eps)).reshape(B, C, H, W)
    return xn * p['s'][None, :, None, None] + p['b'][None, :, None, None]


def _swish(x):
    return x * jax.nn.sigmoid(x)


def _resblock(p, x):
    h = _conv(_swish(_gn(x, p['norm1'])), p['conv1'], pad=1)
    h = _conv(_swish(_gn(h, p['norm2'])), p['conv2'], pad=1)
    if p['nin'] is not None:
        x = _conv(x, p['nin'])
    return x + h


def _attn(p, x):
    h = _gn(x, p['norm'])
    q = _conv(h, p['q']); k = _conv(h, p['k']); v = _conv(h, p['v'])
    B, C, H, W = q.shape
    qf = q.reshape(B, C, H * W).transpose(0, 2, 1)
    kf = k.reshape(B, C, H * W)
    w_ = jax.nn.softmax(jnp.einsum('bqc,bck->bqk', qf, kf) * (C ** -0.5), axis=2)
    vf = v.reshape(B, C, H * W)
    hf = jnp.einsum('bck,bqk->bcq', vf, w_).reshape(B, C, H, W)
    return x + _conv(hf, p['proj'])


def _encode(params, x):
    h = _conv(x, params['conv_in'], pad=1)
    for lvl in params['down']:
        for rb in lvl['blocks']:
            h = _resblock(rb, h)
        if lvl['downsample'] is not None:
            h = jnp.pad(h, ((0, 0), (0, 0), (0, 1), (0, 1)))
            h = _conv(h, lvl['downsample'], stride=2)
    h = _resblock(params['mid']['block1'], h)
    h = _attn(params['mid']['attn'], h)
    h = _resblock(params['mid']['block2'], h)
    h = _conv(_swish(_gn(h, params['norm_out'])), params['conv_out'], pad=1)
    return h



_DOT_DIMS = (((1,), (0,)), ((), ()))


def _split3(a):
    a1 = a.astype(jnp.bfloat16).astype(jnp.float32)
    r = a - a1
    a2 = r.astype(jnp.bfloat16).astype(jnp.float32)
    return a1, a2, r - a2


def _dot_f32(a, b):
    return lax.dot_general(a, b, _DOT_DIMS, preferred_element_type=jnp.float32)


def _vq_tc_body(zn_ref, zn2_ref, znorm_ref, ent_ref, en2_ref, idx_ref,
                qloss_ref, bs_ref, be2_ref, *, n_valid, vb, nb):
    b = pl.program_id(0)
    NP = zn_ref.shape[0]

    @pl.when(b == 0)
    def _init():
        bs_ref[...] = jnp.full((NP, 1), -jnp.inf, jnp.float32)
        be2_ref[...] = jnp.ones((NP, 1), jnp.float32)
        idx_ref[...] = jnp.zeros((NP, 1), jnp.int32)
        qloss_ref[...] = jnp.zeros((1, 1), jnp.float32)

    zn = zn_ref[...]
    en_b = ent_ref[...]
    e2_b = en2_ref[...]
    s = _dot_f32(zn, en_b)
    bmax = jnp.max(s, axis=1, keepdims=True)
    col = lax.broadcasted_iota(jnp.int32, (NP, vb), 1)
    eq = s == bmax
    lidx = jnp.min(jnp.where(eq, col, jnp.int32(2 ** 30)), axis=1,
                   keepdims=True)
    onehot = col == lidx
    e2_at = jnp.sum(jnp.where(onehot,
                              jnp.broadcast_to(e2_b.reshape(1, vb), (NP, vb)),
                              0.0), axis=1, keepdims=True)
    upd = bmax > bs_ref[...]
    bs_ref[...] = jnp.where(upd, bmax, bs_ref[...])
    idx_ref[...] = jnp.where(upd, lidx + b * vb, idx_ref[...])
    be2_ref[...] = jnp.where(upd, e2_at, be2_ref[...])

    @pl.when(b == nb - 1)
    def _finish():
        best_s = bs_ref[...]
        best_e2 = be2_ref[...]
        znorm = znorm_ref[...]
        zn2 = zn2_ref[...]
        enorm_at = jnp.maximum(jnp.sqrt(best_e2), 1e-12)
        qrow = best_e2 - 2.0 * best_s * znorm * enorm_at + zn2
        rowid = lax.broadcasted_iota(jnp.int32, (NP, 1), 0)
        qsum = jnp.sum(jnp.where(rowid < n_valid, qrow, 0.0))
        qloss_ref[...] = (_BETA * qsum / (n_valid * zn_ref.shape[1])
                          ).reshape(1, 1)


def _vq_tc(zn_pad, zn2_pad, znorm_pad, ent, en2, n_valid, vb=1024,
           interpret=False):
    NP, D = zn_pad.shape
    V = ent.shape[1]
    nb = V // vb
    return pl.pallas_call(
        functools.partial(_vq_tc_body, n_valid=n_valid, vb=vb, nb=nb),
        grid=(nb,),
        in_specs=[
            pl.BlockSpec((NP, D), lambda b: (0, 0)),
            pl.BlockSpec((NP, 1), lambda b: (0, 0)),
            pl.BlockSpec((NP, 1), lambda b: (0, 0)),
            pl.BlockSpec((D, vb), lambda b: (0, b)),
            pl.BlockSpec((1, vb), lambda b: (0, b)),
        ],
        out_specs=(pl.BlockSpec((NP, 1), lambda b: (0, 0)),
                   pl.BlockSpec((1, 1), lambda b: (0, 0))),
        out_shape=(jax.ShapeDtypeStruct((NP, 1), jnp.int32),
                   jax.ShapeDtypeStruct((1, 1), jnp.float32)),
        scratch_shapes=[pltpu.VMEM((NP, 1), jnp.float32),
                        pltpu.VMEM((NP, 1), jnp.float32)],
        interpret=interpret,
    )(zn_pad, zn2_pad, znorm_pad, ent, en2)



_SC_CORES = 2
_SC_SUBCORES = 16
_SC_WORKERS = _SC_CORES * _SC_SUBCORES


def _sc_gather(emb, idx_flat):
    NP = idx_flat.shape[0]
    D = emb.shape[1]
    bpw = NP // _SC_WORKERS
    mesh = plsc.VectorSubcoreMesh(core_axis_name="c", subcore_axis_name="s")

    @functools.partial(
        pl.kernel, mesh=mesh,
        out_type=jax.ShapeDtypeStruct((NP, D), jnp.float32),
        scratch_types=[
            pltpu.VMEM((bpw,), jnp.int32),
            pltpu.VMEM((bpw, D), jnp.float32),
            pltpu.SemaphoreType.DMA,
        ],
    )
    def gath(emb_hbm, idx_hbm, out_hbm, idx_v, rows_v, sem):
        wid = lax.axis_index("s") * _SC_CORES + lax.axis_index("c")
        base = wid * bpw
        pltpu.sync_copy(idx_hbm.at[pl.ds(base, bpw)], idx_v)
        pltpu.async_copy(emb_hbm.at[idx_v], rows_v, sem).wait()
        pltpu.sync_copy(rows_v, out_hbm.at[pl.ds(base, bpw)])

    return gath(emb, idx_flat)



def kernel(x, params, embedding):
    h = _encode(params, x)
    z4 = _conv(h, params['quant_conv'])
    B, D, H, W = z4.shape

    N = B * H * W
    NP = -(-N // (8 * _SC_WORKERS)) * (8 * _SC_WORKERS)
    z_flat = z4.transpose(0, 2, 3, 1).reshape(N, D)

    znorm = jnp.clip(jnp.linalg.norm(z_flat, axis=1, keepdims=True), 1e-12)
    zn = z_flat / znorm
    zn2 = jnp.sum(z_flat * z_flat, axis=1, keepdims=True)
    en = embedding / jnp.clip(jnp.linalg.norm(embedding, axis=1, keepdims=True),
                              1e-12)
    en2 = jnp.sum(embedding * embedding, axis=1).reshape(1, -1)

    idx2, qloss2 = _vq_tc(zn, zn2, znorm, en.T, en2, N)
    idx_flat = jnp.zeros((NP,), jnp.int32).at[:N].set(idx2.reshape(N))
    DP = -(-D // 128) * 128
    emb_pad = jnp.pad(embedding, ((0, 0), (0, DP - D)))
    zq = _sc_gather(emb_pad, idx_flat)

    z_q = zq[:N, :D].reshape(B, H, W, D).transpose(0, 3, 1, 2)
    indices = idx_flat[:N].reshape(B, H, W)
    return z_q, indices, qloss2[0, 0]

# --- scband reference (transcript-rebuilt; emitter-appended) ---
"""Pipeline reference for scband-autoencoder-vq-63496796504187 (READ-ONLY COPY).

The authoritative reference and input builder live on the scoring server;
editing this copy changes nothing except your own understanding.
"""

import jax, jax.numpy as jnp
import numpy as np
from jax import lax

CH = 128
CH_MULT = (1, 2, 2, 4)
NUM_RES = 2
ZC = 256
EMBED_DIM = 64
VOCAB = 8192
GROUPS = 32
BETA = 0.25

def _conv_params(key, cin, cout, k):
    w = jax.random.normal(key, (cout, cin, k, k), dtype=jnp.float32) * 0.02
    b = jnp.zeros((cout,), dtype=jnp.float32)
    return {'w': w, 'b': b}

def _norm_params(c):
    return {'s': jnp.ones((c,), jnp.float32), 'b': jnp.zeros((c,), jnp.float32)}

def _res_params(key, cin, cout):
    k1, k2, k3 = jax.random.split(key, 3)
    return {'norm1': _norm_params(cin), 'conv1': _conv_params(k1, cin, cout, 3),
            'norm2': _norm_params(cout), 'conv2': _conv_params(k2, cout, cout, 3),
            'nin': (_conv_params(k3, cin, cout, 1) if cin != cout else None)}

def _attn_params(key, c):
    k1, k2, k3, k4 = jax.random.split(key, 4)
    return {'norm': _norm_params(c), 'q': _conv_params(k1, c, c, 1), 'k': _conv_params(k2, c, c, 1),
            'v': _conv_params(k3, c, c, 1), 'proj': _conv_params(k4, c, c, 1)}

def setup_inputs(seed: int = 0) -> dict:
    keys = list(jax.random.split(jax.random.key(seed), 64))
    nk = lambda: keys.pop()
    params = {}
    params['conv_in'] = _conv_params(nk(), 3, CH, 3)
    down = []
    block_in = CH
    for i, m in enumerate(CH_MULT):
        block_out = CH * m
        blocks = []
        for _ in range(NUM_RES):
            blocks.append(_res_params(nk(), block_in, block_out))
            block_in = block_out
        ds = _conv_params(nk(), block_in, block_in, 3) if i != len(CH_MULT) - 1 else None
        down.append({'blocks': blocks, 'downsample': ds})
    params['down'] = down
    params['mid'] = {'block1': _res_params(nk(), block_in, block_in),
                     'attn': _attn_params(nk(), block_in),
                     'block2': _res_params(nk(), block_in, block_in)}
    params['norm_out'] = _norm_params(block_in)
    params['conv_out'] = _conv_params(nk(), block_in, ZC, 3)
    params['quant_conv'] = _conv_params(nk(), ZC, EMBED_DIM, 1)
    emb = jax.random.normal(nk(), (VOCAB, EMBED_DIM), dtype=jnp.float32)
    emb = emb / jnp.clip(jnp.linalg.norm(emb, axis=1, keepdims=True), 1e-12)
    x = jax.random.normal(nk(), (1, 3, 224, 224), dtype=jnp.float32)
    return {'x': x, 'params': params, 'embedding': emb}

def _conv(x, p, stride=1, pad=0):
    out = lax.conv_general_dilated(x, p['w'], (stride, stride), ((pad, pad), (pad, pad)),
                                   dimension_numbers=('NCHW', 'OIHW', 'NCHW'))
    return out + p['b'][None, :, None, None]

def _gn(x, p, eps=1e-6):
    B, C, H, W = x.shape
    xg = x.reshape(B, GROUPS, C // GROUPS, H, W)
    mu = xg.mean(axis=(2, 3, 4), keepdims=True)
    var = xg.var(axis=(2, 3, 4), keepdims=True)
    xn = ((xg - mu) / jnp.sqrt(var + eps)).reshape(B, C, H, W)
    return xn * p['s'][None, :, None, None] + p['b'][None, :, None, None]

def _swish(x):
    return x * jax.nn.sigmoid(x)

def _resblock(p, x):
    h = _conv(_swish(_gn(x, p['norm1'])), p['conv1'], pad=1)
    h = _conv(_swish(_gn(h, p['norm2'])), p['conv2'], pad=1)
    if p['nin'] is not None:
        x = _conv(x, p['nin'])
    return x + h

def _attn(p, x):
    h = _gn(x, p['norm'])
    q = _conv(h, p['q']); k = _conv(h, p['k']); v = _conv(h, p['v'])
    B, C, H, W = q.shape
    qf = q.reshape(B, C, H * W).transpose(0, 2, 1)
    kf = k.reshape(B, C, H * W)
    w_ = jax.nn.softmax(jnp.einsum('bqc,bck->bqk', qf, kf) * (C ** -0.5), axis=2)
    vf = v.reshape(B, C, H * W)
    hf = jnp.einsum('bck,bqk->bcq', vf, w_).reshape(B, C, H, W)
    return x + _conv(hf, p['proj'])

def _encode(params, x):
    h = _conv(x, params['conv_in'], pad=1)
    for lvl in params['down']:
        for rb in lvl['blocks']:
            h = _resblock(rb, h)
        if lvl['downsample'] is not None:
            h = jnp.pad(h, ((0, 0), (0, 0), (0, 1), (0, 1)))
            h = _conv(h, lvl['downsample'], stride=2)
    h = _resblock(params['mid']['block1'], h)
    h = _attn(params['mid']['attn'], h)
    h = _resblock(params['mid']['block2'], h)
    h = _conv(_swish(_gn(h, params['norm_out'])), params['conv_out'], pad=1)
    return h

def _quantize(h, embedding):
    B, C, H, W = h.shape
    z_flat = h.transpose(0, 2, 3, 1).reshape(-1, C)
    zn = z_flat / jnp.clip(jnp.linalg.norm(z_flat, axis=1, keepdims=True), 1e-12)
    en = embedding / jnp.clip(jnp.linalg.norm(embedding, axis=1, keepdims=True), 1e-12)
    indices = jnp.argmax(zn @ en.T, axis=1)
    z_q = jnp.take(embedding, indices, axis=0).reshape(B, H, W, C).transpose(0, 3, 1, 2)
    qloss = BETA * jnp.mean((jax.lax.stop_gradient(z_q) - h) ** 2)
    z_q_st = h + jax.lax.stop_gradient(z_q - h)
    return z_q_st, indices.reshape(B, H, W), qloss

def reference(x, params, embedding):
    h = _encode(params, x)
    h = _conv(h, params['quant_conv'])
    return _quantize(h, embedding)

if __name__ == "__main__":
    import jax
    _d = setup_inputs()
    print(jax.jit(kernel)(*tuple(_d.values())))

</pallas_src>

<mosaic_0001>
#map = affine_map<(d0, d1) -> (0, 0)>
#map1 = affine_map<(d0, d1) -> (0)>
module attributes {stable_mosaic.version = 14 : i64} {
  func.func @gath(%arg0: i32, %arg1: i32, %arg2: memref<8192x128xf32, #tpu.memory_space<hbm>>, %arg3: memref<1024xi32, #tpu.memory_space<hbm>>, %arg4: memref<1024x128xf32, #tpu.memory_space<hbm>>, %arg5: memref<32xi32, #tpu.memory_space<vmem>>, %arg6: memref<32x128xf32, #tpu.memory_space<vmem>>, %arg7: memref<!tpu.dma_semaphore, #tpu.memory_space<semaphore_mem>>) attributes {dimension_semantics = [#tpu.dimension_semantics<core_parallel>, #tpu.dimension_semantics<subcore_parallel>], iteration_bounds = array<i64: 2, 16>, scalar_prefetch = 0 : i64, scratch_operands = 3 : i64, tpu.core_type = #tpu.core_type<sc_vector_subcore>, window_params = [{transform_indices = #map}, {transform_indices = #map1}, {transform_indices = #map}]} {
    %mul3A = arith.constant 2 : i32
    %mul3A_0 = arith.muli %arg1, %mul3A : i32
    %add3A = arith.addi %mul3A_0, %arg0 : i32
    %mul3A_1 = arith.constant 32 : i32
    %mul3A_2 = arith.muli %add3A, %mul3A_1 : i32
    "tpu.region"() ({
      %run_scoped3A = tpu.sem_alloc : memref<!tpu.dma_semaphore, #tpu.memory_space<semaphore_mem>>
      %dma_start3A_7 = tpu.memref_slice %arg3[%mul3A_2] : memref<1024xi32, #tpu.memory_space<hbm>> -> memref<32xi32, #tpu.memory_space<hbm>>
      %dma_start3A_8 = tpu.memref_slice %arg3[%mul3A_2] : memref<1024xi32, #tpu.memory_space<hbm>> -> memref<32xi32, #tpu.memory_space<hbm>>
      tpu.enqueue_dma source(%dma_start3A_8 : memref<32xi32, #tpu.memory_space<hbm>>) target(%arg5 : memref<32xi32, #tpu.memory_space<vmem>>) target_semaphore(%run_scoped3A : memref<!tpu.dma_semaphore, #tpu.memory_space<semaphore_mem>>)
      %dma_wait3A_9 = tpu.memref_slice %arg3[%mul3A_2] : memref<1024xi32, #tpu.memory_space<hbm>> -> memref<32xi32, #tpu.memory_space<hbm>>
      %dma_wait3A_10 = tpu.memref_slice %arg3[%mul3A_2] : memref<1024xi32, #tpu.memory_space<hbm>> -> memref<32xi32, #tpu.memory_space<hbm>>
      tpu.wait_dma2 semaphore(%run_scoped3A : memref<!tpu.dma_semaphore, #tpu.memory_space<semaphore_mem>>) src(%dma_wait3A_10 : memref<32xi32, #tpu.memory_space<hbm>>) dst(%arg5 : memref<32xi32, #tpu.memory_space<vmem>>)
      tpu.yield
    }) : () -> ()
    %dma_start3A = arith.constant 0 : i32
    %dma_start3A_3 = arith.constant 0 : i32
    %dma_start3A_4 = tpu.memref_slice %arg2[%dma_start3A, %dma_start3A_3] : memref<8192x128xf32, #tpu.memory_space<hbm>> -> memref<8192x128xf32, #tpu.memory_space<hbm>>
    tpu.enqueue_indirect_dma source(%dma_start3A_4 : memref<8192x128xf32, #tpu.memory_space<hbm>>) target(%arg6 : memref<32x128xf32, #tpu.memory_space<vmem>>) offsets(%arg5 : memref<32xi32, #tpu.memory_space<vmem>>) semaphore(%arg7 : memref<!tpu.dma_semaphore, #tpu.memory_space<semaphore_mem>>)
    %dma_wait3A = arith.constant 0 : i32
    %dma_wait3A_5 = arith.constant 0 : i32
    %dma_wait3A_6 = tpu.memref_slice %arg2[%dma_wait3A, %dma_wait3A_5] : memref<8192x128xf32, #tpu.memory_space<hbm>> -> memref<8192x128xf32, #tpu.memory_space<hbm>>
    tpu.wait_indirect_dma semaphore(%arg7 : memref<!tpu.dma_semaphore, #tpu.memory_space<semaphore_mem>>) src(%dma_wait3A_6 : memref<8192x128xf32, #tpu.memory_space<hbm>>) dst(%arg6 : memref<32x128xf32, #tpu.memory_space<vmem>>)
    "tpu.region"() ({
      %run_scoped3A = tpu.sem_alloc : memref<!tpu.dma_semaphore, #tpu.memory_space<semaphore_mem>>
      %dma_start3A_7 = arith.constant 0 : i32
      %dma_start3A_8 = tpu.memref_slice %arg4[%mul3A_2, %dma_start3A_7] : memref<1024x128xf32, #tpu.memory_space<hbm>> -> memref<32x128xf32, #tpu.memory_space<hbm>>
      %dma_start3A_9 = arith.constant 0 : i32
      %dma_start3A_10 = tpu.memref_slice %arg4[%mul3A_2, %dma_start3A_9] : memref<1024x128xf32, #tpu.memory_space<hbm>> -> memref<32x128xf32, #tpu.memory_space<hbm>>
      tpu.enqueue_dma source(%arg6 : memref<32x128xf32, #tpu.memory_space<vmem>>) target(%dma_start3A_10 : memref<32x128xf32, #tpu.memory_space<hbm>>) target_semaphore(%run_scoped3A : memref<!tpu.dma_semaphore, #tpu.memory_space<semaphore_mem>>)
      %dma_wait3A_11 = arith.constant 0 : i32
      %dma_wait3A_12 = tpu.memref_slice %arg4[%mul3A_2, %dma_wait3A_11] : memref<1024x128xf32, #tpu.memory_space<hbm>> -> memref<32x128xf32, #tpu.memory_space<hbm>>
      %dma_wait3A_13 = arith.constant 0 : i32
      %dma_wait3A_14 = tpu.memref_slice %arg4[%mul3A_2, %dma_wait3A_13] : memref<1024x128xf32, #tpu.memory_space<hbm>> -> memref<32x128xf32, #tpu.memory_space<hbm>>
      tpu.wait_dma2 semaphore(%run_scoped3A : memref<!tpu.dma_semaphore, #tpu.memory_space<semaphore_mem>>) src(%arg6 : memref<32x128xf32, #tpu.memory_space<vmem>>) dst(%dma_wait3A_14 : memref<32x128xf32, #tpu.memory_space<hbm>>)
      tpu.yield
    }) : () -> ()
    return
  }
}

module attributes {stable_mosaic.version = 14 : i64} {
  func.func @_vq_tc_body(%arg0: i32, %arg1: memref<784x64xf32, #tpu.memory_space<vmem>>, %arg2: memref<784x1xf32, #tpu.memory_space<vmem>>, %arg3: memref<784x1xf32, #tpu.memory_space<vmem>>, %arg4: memref<64x1024xf32, #tpu.memory_space<vmem>>, %arg5: memref<1x1024xf32, #tpu.memory_space<vmem>>, %arg6: memref<784x1xi32, #tpu.memory_space<vmem>>, %arg7: memref<1x1xf32, #tpu.memory_space<vmem>>, %arg8: memref<784x1xf32, #tpu.memory_space<vmem>>, %arg9: memref<784x1xf32, #tpu.memory_space<vmem>>) attributes {dimension_semantics = [#tpu.dimension_semantics<arbitrary>], iteration_bounds = array<i64: 8>, scalar_prefetch = 0 : i64, scratch_operands = 2 : i64, tpu.core_type = #tpu.core_type<tc>, window_params = [{pipeline_mode = #tpu.pipeline_mode<synchronous>, transform_indices = @transform_0, window_bounds = array<i64: 784, 64>}, {pipeline_mode = #tpu.pipeline_mode<synchronous>, transform_indices = @transform_1, window_bounds = array<i64: 784, 1>}, {pipeline_mode = #tpu.pipeline_mode<synchronous>, transform_indices = @transform_2, window_bounds = array<i64: 784, 1>}, {transform_indices = @transform_3, window_bounds = array<i64: 64, 1024>}, {transform_indices = @transform_4, window_bounds = array<i64: 1, 1024>}, {pipeline_mode = #tpu.pipeline_mode<synchronous>, transform_indices = @transform_5, window_bounds = array<i64: 784, 1>}, {pipeline_mode = #tpu.pipeline_mode<synchronous>, transform_indices = @transform_6, window_bounds = array<i64: 1, 1>}]} {
    %eq3A = arith.constant 0 : i32
    %eq3A_0 = arith.cmpi eq, %arg0, %eq3A : i32
    %convert_element_type3A = arith.extui %eq3A_0 : i1 to i32
    %cond3A = arith.constant 0 : i32
    %cond3A_1 = arith.cmpi ne, %convert_element_type3A, %cond3A : i32
    scf.if %cond3A_1 {
      %broadcast_in_dim3A_56 = arith.constant 0xFF800000 : f32
      %broadcast_in_dim3A_57 = vector.broadcast %broadcast_in_dim3A_56 : f32 to vector<784x1xf32>
      %swap3A_58 = arith.constant 0 : index
      %swap3A_59 = arith.constant 0 : index
      %swap3A_60 = vector.load %arg8[%swap3A_58, %swap3A_59] : memref<784x1xf32, #tpu.memory_space<vmem>>, vector<784x1xf32>
      tpu.vector_store %arg8[%swap3A_58, %swap3A_59], %broadcast_in_dim3A_57 {strides = array<i32>} : memref<784x1xf32, #tpu.memory_space<vmem>>, vector<784x1xf32>,
      %broadcast_in_dim3A_61 = arith.constant 1.000000e+00 : f32
      %broadcast_in_dim3A_62 = vector.broadcast %broadcast_in_dim3A_61 : f32 to vector<784x1xf32>
      %swap3A_63 = arith.constant 0 : index
      %swap3A_64 = arith.constant 0 : index
      %swap3A_65 = vector.load %arg9[%swap3A_63, %swap3A_64] : memref<784x1xf32, #tpu.memory_space<vmem>>, vector<784x1xf32>
      tpu.vector_store %arg9[%swap3A_63, %swap3A_64], %broadcast_in_dim3A_62 {strides = array<i32>} : memref<784x1xf32, #tpu.memory_space<vmem>>, vector<784x1xf32>,
      %broadcast_in_dim3A_66 = arith.constant 0 : i32
      %broadcast_in_dim3A_67 = vector.broadcast %broadcast_in_dim3A_66 : i32 to vector<784x1xi32>
      %swap3A_68 = arith.constant 0 : index
      %swap3A_69 = arith.constant 0 : index
      %swap3A_70 = vector.load %arg6[%swap3A_68, %swap3A_69] : memref<784x1xi32, #tpu.memory_space<vmem>>, vector<784x1xi32>
      tpu.vector_store %arg6[%swap3A_68, %swap3A_69], %broadcast_in_dim3A_67 {strides = array<i32>} : memref<784x1xi32, #tpu.memory_space<vmem>>, vector<784x1xi32>,
      %broadcast_in_dim3A_71 = arith.constant 0.000000e+00 : f32
      %broadcast_in_dim3A_72 = vector.broadcast %broadcast_in_dim3A_71 : f32 to vector<1x1xf32>
      %swap3A_73 = arith.constant 0 : index
      %swap3A_74 = arith.constant 0 : index
      %swap3A_75 = vector.load %arg7[%swap3A_73, %swap3A_74] : memref<1x1xf32, #tpu.memory_space<vmem>>, vector<1x1xf32>
      tpu.vector_store %arg7[%swap3A_73, %swap3A_74], %broadcast_in_dim3A_72 {strides = array<i32>} : memref<1x1xf32, #tpu.memory_space<vmem>>, vector<1x1xf32>,
    } else {
    }
    %get3A = arith.constant 0 : index
    %get3A_2 = arith.constant 0 : index
    %get3A_3 = vector.load %arg1[%get3A, %get3A_2] : memref<784x64xf32, #tpu.memory_space<vmem>>, vector<784x64xf32>
    %get3A_4 = arith.constant 0 : index
    %get3A_5 = arith.constant 0 : index
    %get3A_6 = vector.load %arg4[%get3A_4, %get3A_5] : memref<64x1024xf32, #tpu.memory_space<vmem>>, vector<64x1024xf32>
    %get3A_7 = arith.constant 0 : index
    %get3A_8 = arith.constant 0 : index
    %get3A_9 = vector.load %arg5[%get3A_7, %get3A_8] : memref<1x1024xf32, #tpu.memory_space<vmem>>, vector<1x1024xf32>
    %dot_general3A = arith.constant dense<0.000000e+00> : vector<784x1024xf32>
    %dot_general3A_10 = tpu.matmul %get3A_3, %get3A_6, %dot_general3A {dimension_numbers = #tpu.dot_dimension_numbers<[1], [0], [0], [1], [0, 0, 1, 1], [], []>, transpose_lhs_hint = false} : vector<784x64xf32>, vector<64x1024xf32>, vector<784x1024xf32> -> vector<784x1024xf32>
    %reduce_max3A = arith.constant dense<0xFF800000> : vector<784xf32>
    %reduce_max3A_11 = vector.multi_reduction <maximumf>, %dot_general3A_10, %reduce_max3A [1] : vector<784x1024xf32> to vector<784xf32>
    %broadcast_in_dim3A = vector.shape_cast %reduce_max3A_11 : vector<784xf32> to vector<784x1xf32>
    %iota3A = tpu.iota {dimensions = array<i32: 1>} : vector<784x1024xi32>
    %eq3A_12 = vector.broadcast %broadcast_in_dim3A : vector<784x1xf32> to vector<784x1024xf32>
    %eq3A_13 = arith.cmpf oeq, %dot_general3A_10, %eq3A_12 : vector<784x1024xf32>
    %jit3A = arith.constant 1073741824 : i32
    %broadcast_in_dim3A_14 = vector.broadcast %jit3A : i32 to vector<784x1024xi32>
    %select_n3A = arith.select %eq3A_13, %iota3A, %broadcast_in_dim3A_14 : vector<784x1024xi1>, vector<784x1024xi32>
    %reduce_min3A = arith.constant dense<2147483647> : vector<784xi32>
    %reduce_min3A_15 = vector.multi_reduction <minsi>, %select_n3A, %reduce_min3A [1] : vector<784x1024xi32> to vector<784xi32>
    %broadcast_in_dim3A_16 = vector.shape_cast %reduce_min3A_15 : vector<784xi32> to vector<784x1xi32>
    %eq3A_17 = vector.broadcast %broadcast_in_dim3A_16 : vector<784x1xi32> to vector<784x1024xi32>
    %eq3A_18 = arith.cmpi eq, %iota3A, %eq3A_17 : vector<784x1024xi32>
    %broadcast_in_dim3A_19 = vector.shape_cast %get3A_9 : vector<1x1024xf32> to vector<1x1024xf32>
    %broadcast_in_dim3A_20 = vector.broadcast %broadcast_in_dim3A_19 : vector<1x1024xf32> to vector<784x1024xf32>
    %jit3A_21 = arith.constant 0.000000e+00 : f32
    %broadcast_in_dim3A_22 = vector.broadcast %jit3A_21 : f32 to vector<784x1024xf32>
    %select_n3A_23 = arith.select %eq3A_18, %broadcast_in_dim3A_20, %broadcast_in_dim3A_22 : vector<784x1024xi1>, vector<784x1024xf32>
    %reduce_sum3A = arith.constant dense<0.000000e+00> : vector<784xf32>
    %reduce_sum3A_24 = vector.multi_reduction <add>, %select_n3A_23, %reduce_sum3A [1] : vector<784x1024xf32> to vector<784xf32>
    %broadcast_in_dim3A_25 = vector.shape_cast %reduce_sum3A_24 : vector<784xf32> to vector<784x1xf32>
    %get3A_26 = arith.constant 0 : index
    %get3A_27 = arith.constant 0 : index
    %get3A_28 = vector.load %arg8[%get3A_26, %get3A_27] : memref<784x1xf32, #tpu.memory_space<vmem>>, vector<784x1xf32>
    %gt3A = arith.cmpf ogt, %broadcast_in_dim3A, %get3A_28 : vector<784x1xf32>
    %get3A_29 = arith.constant 0 : index
    %get3A_30 = arith.constant 0 : index
    %get3A_31 = vector.load %arg8[%get3A_29, %get3A_30] : memref<784x1xf32, #tpu.memory_space<vmem>>, vector<784x1xf32>
    %select_n3A_32 = arith.select %gt3A, %broadcast_in_dim3A, %get3A_31 : vector<784x1xi1>, vector<784x1xf32>
    %swap3A = arith.constant 0 : index
    %swap3A_33 = arith.constant 0 : index
    %swap3A_34 = vector.load %arg8[%swap3A, %swap3A_33] : memref<784x1xf32, #tpu.memory_space<vmem>>, vector<784x1xf32>
    tpu.vector_store %arg8[%swap3A, %swap3A_33], %select_n3A_32 {strides = array<i32>} : memref<784x1xf32, #tpu.memory_space<vmem>>, vector<784x1xf32>,
    %mul3A = arith.constant 1024 : i32
    %mul3A_35 = arith.muli %arg0, %mul3A : i32
    %add3A = vector.broadcast %mul3A_35 : i32 to vector<784x1xi32>
    %add3A_36 = arith.addi %broadcast_in_dim3A_16, %add3A : vector<784x1xi32>
    %get3A_37 = arith.constant 0 : index
    %get3A_38 = arith.constant 0 : index
    %get3A_39 = vector.load %arg6[%get3A_37, %get3A_38] : memref<784x1xi32, #tpu.memory_space<vmem>>, vector<784x1xi32>
    %select_n3A_40 = arith.select %gt3A, %add3A_36, %get3A_39 : vector<784x1xi1>, vector<784x1xi32>
    %swap3A_41 = arith.constant 0 : index
    %swap3A_42 = arith.constant 0 : index
    %swap3A_43 = vector.load %arg6[%swap3A_41, %swap3A_42] : memref<784x1xi32, #tpu.memory_space<vmem>>, vector<784x1xi32>
    tpu.vector_store %arg6[%swap3A_41, %swap3A_42], %select_n3A_40 {strides = array<i32>} : memref<784x1xi32, #tpu.memory_space<vmem>>, vector<784x1xi32>,
    %get3A_44 = arith.constant 0 : index
    %get3A_45 = arith.constant 0 : index
    %get3A_46 = vector.load %arg9[%get3A_44, %get3A_45] : memref<784x1xf32, #tpu.memory_space<vmem>>, vector<784x1xf32>
    %select_n3A_47 = arith.select %gt3A, %broadcast_in_dim3A_25, %get3A_46 : vector<784x1xi1>, vector<784x1xf32>
    %swap3A_48 = arith.constant 0 : index
    %swap3A_49 = arith.constant 0 : index
    %swap3A_50 = vector.load %arg9[%swap3A_48, %swap3A_49] : memref<784x1xf32, #tpu.memory_space<vmem>>, vector<784x1xf32>
    tpu.vector_store %arg9[%swap3A_48, %swap3A_49], %select_n3A_47 {strides = array<i32>} : memref<784x1xf32, #tpu.memory_space<vmem>>, vector<784x1xf32>,
    %eq3A_51 = arith.constant 7 : i32
    %eq3A_52 = arith.cmpi eq, %arg0, %eq3A_51 : i32
    %convert_element_type3A_53 = arith.extui %eq3A_52 : i1 to i32
    %cond3A_54 = arith.constant 0 : i32
    %cond3A_55 = arith.cmpi ne, %convert_element_type3A_53, %cond3A_54 : i32
    scf.if %cond3A_55 {
      %get3A_56 = arith.constant 0 : index
      %get3A_57 = arith.constant 0 : index
      %get3A_58 = vector.load %arg8[%get3A_56, %get3A_57] : memref<784x1xf32, #tpu.memory_space<vmem>>, vector<784x1xf32>
      %get3A_59 = arith.constant 0 : index
      %get3A_60 = arith.constant 0 : index
      %get3A_61 = vector.load %arg9[%get3A_59, %get3A_60] : memref<784x1xf32, #tpu.memory_space<vmem>>, vector<784x1xf32>
      %get3A_62 = arith.constant 0 : index
      %get3A_63 = arith.constant 0 : index
      %get3A_64 = vector.load %arg3[%get3A_62, %get3A_63] : memref<784x1xf32, #tpu.memory_space<vmem>>, vector<784x1xf32>
      %get3A_65 = arith.constant 0 : index
      %get3A_66 = arith.constant 0 : index
      %get3A_67 = vector.load %arg2[%get3A_65, %get3A_66] : memref<784x1xf32, #tpu.memory_space<vmem>>, vector<784x1xf32>
      %sqrt3A = math.sqrt %get3A_61 : vector<784x1xf32>
      %max3A = arith.constant 9.99999996E-13 : f32
      %max3A_68 = vector.broadcast %max3A : f32 to vector<784x1xf32>
      %max3A_69 = arith.maximumf %sqrt3A, %max3A_68 : vector<784x1xf32>
      %mul3A_70 = arith.constant 2.000000e+00 : f32
      %mul3A_71 = vector.broadcast %mul3A_70 : f32 to vector<784x1xf32>
      %mul3A_72 = arith.mulf %mul3A_71, %get3A_58 : vector<784x1xf32>
      %mul3A_73 = arith.mulf %mul3A_72, %get3A_64 : vector<784x1xf32>
      %mul3A_74 = arith.mulf %mul3A_73, %max3A_69 : vector<784x1xf32>
      %sub3A = arith.subf %get3A_61, %mul3A_74 : vector<784x1xf32>
      %add3A_75 = arith.addf %sub3A, %get3A_67 : vector<784x1xf32>
      %iota3A_76 = tpu.iota {dimensions = array<i32: 0>} : vector<784x1xi32>
      %lt3A = arith.constant 784 : i32
      %lt3A_77 = vector.broadcast %lt3A : i32 to vector<784x1xi32>
      %lt3A_78 = arith.cmpi slt, %iota3A_76, %lt3A_77 : vector<784x1xi32>
      %jit3A_79 = arith.constant 0.000000e+00 : f32
      %broadcast_in_dim3A_80 = vector.broadcast %jit3A_79 : f32 to vector<784x1xf32>
      %select_n3A_81 = arith.select %lt3A_78, %add3A_75, %broadcast_in_dim3A_80 : vector<784x1xi1>, vector<784x1xf32>
      %reduce_sum3A_82 = vector.shape_cast %select_n3A_81 : vector<784x1xf32> to vector<1x784x1xf32>
      %reduce_sum3A_83 = arith.constant dense<0.000000e+00> : vector<1xf32>
      %reduce_sum3A_84 = vector.multi_reduction <add>, %reduce_sum3A_82, %reduce_sum3A_83 [1, 2] : vector<1x784x1xf32> to vector<1xf32>
      %reduce_sum3A_85 = vector.shape_cast %reduce_sum3A_84 : vector<1xf32> to vector<1x1x1xf32>
      %reduce_sum3A_86 = vector.extract %reduce_sum3A_85[0, 0, 0] : f32 from vector<1x1x1xf32>
      %mul3A_87 = arith.constant 2.500000e-01 : f32
      %mul3A_88 = arith.mulf %mul3A_87, %reduce_sum3A_86 : f32
      %div3A = arith.constant 5.017600e+04 : f32
      %div3A_89 = arith.divf %mul3A_88, %div3A : f32
      %reshape3A = vector.broadcast %div3A_89 : f32 to vector<1x1xf32>
      %swap3A_90 = arith.constant 0 : index
      %swap3A_91 = arith.constant 0 : index
      %swap3A_92 = vector.load %arg7[%swap3A_90, %swap3A_91] : memref<1x1xf32, #tpu.memory_space<vmem>>, vector<1x1xf32>
      tpu.vector_store %arg7[%swap3A_90, %swap3A_91], %reshape3A {strides = array<i32>} : memref<1x1xf32, #tpu.memory_space<vmem>>, vector<1x1xf32>,
    } else {
    }
    return
  }
  func.func @transform_0(%arg0: i32) -> (i32, i32) {
    %c0_i32 = arith.constant 0 : i32
    %c0_i32_0 = arith.constant 0 : i32
    %c0_i32_1 = arith.constant 0 : i32
    return %c0_i32, %c0_i32_0 : i32, i32
  }
  func.func @transform_1(%arg0: i32) -> (i32, i32) {
    %c0_i32 = arith.constant 0 : i32
    %c0_i32_0 = arith.constant 0 : i32
    %c0_i32_1 = arith.constant 0 : i32
    return %c0_i32, %c0_i32_0 : i32, i32
  }
  func.func @transform_2(%arg0: i32) -> (i32, i32) {
    %c0_i32 = arith.constant 0 : i32
    %c0_i32_0 = arith.constant 0 : i32
    %c0_i32_1 = arith.constant 0 : i32
    return %c0_i32, %c0_i32_0 : i32, i32
  }
  func.func @transform_3(%arg0: i32) -> (i32, i32) {
    %c0_i32 = arith.constant 0 : i32
    %c0_i32_0 = arith.constant 0 : i32
    return %c0_i32, %arg0 : i32, i32
  }
  func.func @transform_4(%arg0: i32) -> (i32, i32) {
    %c0_i32 = arith.constant 0 : i32
    %c0_i32_0 = arith.constant 0 : i32
    return %c0_i32, %arg0 : i32, i32
  }
  func.func @transform_5(%arg0: i32) -> (i32, i32) {
    %c0_i32 = arith.constant 0 : i32
    %c0_i32_0 = arith.constant 0 : i32
    %c0_i32_1 = arith.constant 0 : i32
    return %c0_i32, %c0_i32_0 : i32, i32
  }
  func.func @transform_6(%arg0: i32) -> (i32, i32) {
    %c0_i32 = arith.constant 0 : i32
    %c0_i32_0 = arith.constant 0 : i32
    %c0_i32_1 = arith.constant 0 : i32
    return %c0_i32, %c0_i32_0 : i32, i32
  }
}

</mosaic_0001>

<sc_bundles>
// kernel: kernel.4.cloned.1.call-start
scs
__scs_entry_jumppad:
0x0: {  	(pc) =	sbr.rel $0x88, $3  }
0x1: {  	(tag) =	ssettag $0x0;
	lr =	simm.s32 $0x1  }
0x2: {  	[smem:$0x3F33] =	sst lr;
	_ =	strace $0xD0000000  }
0x3: {  	_ = 	snop  }
0x4: {  	_ = 	snop  }
0x5: {  	_ = 	snop  }
0x6: {  	_ = 	snop  }
0x7: {  	_ = 	snop  }
__scs_overlays_trampoline_lowered:
0x8: {  	[smem:$0x3F42] =	sst s0  }
0x9: {  	[smem:$0x3F43] =	sst s1  }
0xa: {  	[smem:$0x3F44] =	sst s2  }
0xb: {  	[smem:$0x3F45] =	sst s3  }
0xc: {  	[smem:$0x3F46] =	sst s4  }
0xd: {  	[smem:$0x3F47] =	sst s5  }
0xe: {  	[smem:$0x3F48] =	sst s6  }
0xf: {  	[smem:$0x3F49] =	sst s7  }
0x10: {  	[smem:$0x3F4A] =	sst s8  }
0x11: {  	[smem:$0x3F4B] =	sst s9;
	s0 =	simm.s32 @!p0 $0x0  }
0x12: {  	s1 =	sld [smem:$0x3F31];
	s0 =	simm.s32 @p0 $0x1  }
0x13: {  	[smem:$0x3F4C] =	sst s0;
	s0 =	simm.s32 @!p1 $0x0  }
0x14: {  	s2 =	sld [smem:$0x3F30];
	s0 =	simm.s32 @p1 $0x1  }
0x15: {  	[smem:$0x3F4D] =	sst s0;
	s0 =	simm.s32 @!p2 $0x0  }
0x16: {  	s3 =	sld [smem:$0x3FDB];
	s0 =	simm.s32 @p2 $0x1  }
0x17: {  	s4 =	simm.s32 $0x1BF5;
	[smem:$0x3F4F] =	sst s0  }
0x18: {  	s0 =	sld [smem:$0x3F32];
	_ =	swait.ge [sflag:s4], $0x0  }
0x19: {  	s7 =	sld [smem:$0x3F33]  }
0x1a: {  	s8 =	sadd.s32 $0xFFFFE003, lr  }
0x1b: {  	s9 =	sadd.s32 $0xFFFFFEF7, lr;
	s5 =	simm.s32 $0xFFFFFFFF;
	p2 =	slt.u32 s8, $0xFFFFF086  }
0x1c: {  	p1 =	slt.u32 s9, $0xF7A;
	s5 =	simm.s32 @!p2 $0x0  }
0x1d: {  	s5 =	simm.s32 @p1 $0x1;
	p0 =	seq.s32 s7, s2  }
0x1e: {  	s7 =	smul.u32 @!p0 $0xF7A, s2;
	p2 =	seq.s32 @!p0 s5, $0x0  }
0x1f: {  	s9 =	smul.u32 $0xF7A, s1;
	s8 =	simm.s32 @!p0 $0x1BF5;
	p2 =	por !p2, p0  }
0x20: {  	[sflag:s8] =	ssyncset.s32 @!p0 $0xFFFFF086;
	s6 =	sadd.s32 @!p0 s3, s7;
	s7 =	simm.s32 @!p0 $0x108  }
0x21: {  	s3 =	sadd.s32 s3, s9;
	s6 =	sadd.s32 @!p0 $0x88, s6;
	s7 =	simm.s32 @p2 $0x1082  }
0x22: {  	[simem:s7], [sflag:s8] =	dma.local @!p0 [hbm:s6], $0xF7A  }
0x23: {  	s9 =	sor.u32 $0xD0000000, s2;
	s6 =	simm.s32 $0x108;
	_ =	swait.ge @!p0 [sflag:s8], $0x0  }
0x24: {  	s3 =	sadd.s32 $0x88, s3;
	s6 =	simm.s32 @!p1 $0x1082;
	[sflag:s4] =	ssyncset.s32 $0xFFFFF086  }
0x25: {  	[simem:s6], [sflag:s4] =	dma.local [hbm:s3], $0xF7A  }
0x26: {  	[smem:$0x3F33] =	sst s1;
	(tag) =	ssettag s2;
	_ =	strace s9  }
0x27: {  	s1 =	sld [smem:$0x3F43]  }
0x28: {  	s2 =	sld [smem:$0x3F44]  }
0x29: {  	s4 =	sld [smem:$0x3F46]  }
0x2a: {  	p0 =	seq.s32 s5, $0x0;
	s5 =	sld [smem:$0x3F47]  }
0x2b: {  	s6 =	sld [smem:$0x3F48]  }
0x2c: {  	s7 =	sld [smem:$0x3F49]  }
0x2d: {  	s3 =	simm.s32 $0x108;
	s8 =	sld [smem:$0x3F4A]  }
0x2e: {  	s3 =	simm.s32 @!p0 $0x1082;
	s9 =	sld [smem:$0x3F4B]  }
0x2f: {  	lr =	sadd.s32 s0, s3;
	s0 =	sld [smem:$0x3F42]  }
0x30: {  	s3 =	sld [smem:$0x3F45]  }
0x31: {  	[smem:$0x3F4E] =	sst s10  }
0x32: {  	s10 =	sld [smem:$0x3F4C];
	_ =	sdelay $0x3  }
0x33: {  	p0 =	seq.s32 s10, $0x1;
	s10 =	sld [smem:$0x3F4E];
	_ =	sdelay $0x3  }
0x34: {  	[smem:$0x3F4E] =	sst s10  }
0x35: {  	s10 =	sld [smem:$0x3F4D];
	_ =	sdelay $0x3  }
0x36: {  	p1 =	seq.s32 s10, $0x1;
	s10 =	sld [smem:$0x3F4E];
	_ =	sdelay $0x3  }
0x37: {  	[smem:$0x3F4E] =	sst s10  }
0x38: {  	s10 =	sld [smem:$0x3F4F]  }
0x39: {  	_ = 	snop;
	(pc) =	sbr.ind lr, $3  }
0x3a: {  	_ = 	snop  }
0x3b: {  	_ = 	snop  }
0x3c: {  	p2 =	seq.s32 s10, $0x1;
	s10 =	sld [smem:$0x3F4E]  }
0x3d: {  	_ =	shalt  }
0x3e: {  	_ =	shalt  }
0x3f: {  	_ =	shalt  }
0x40: {  	_ =	shalt  }
0x41: {  	_ =	shalt  }
0x42: {  	_ =	shalt  }
0x43: {  	_ =	shalt  }
0x44: {  	_ =	shalt  }
0x45: {  	_ =	shalt  }
0x46: {  	_ =	shalt  }
0x47: {  	_ =	shalt  }
0x48: {  	_ =	shalt  }
0x49: {  	_ =	shalt  }
0x4a: {  	_ =	shalt  }
0x4b: {  	_ =	shalt  }
0x4c: {  	_ =	shalt  }
0x4d: {  	_ =	shalt  }
0x4e: {  	_ =	shalt  }
0x4f: {  	_ =	shalt  }
0x50: {  	_ =	shalt  }
0x51: {  	_ =	shalt  }
0x52: {  	_ =	shalt  }
0x53: {  	_ =	shalt  }
0x54: {  	_ =	shalt  }
0x55: {  	_ =	shalt  }
0x56: {  	_ =	shalt  }
0x57: {  	_ =	shalt  }
0x58: {  	_ =	shalt  }
0x59: {  	_ =	shalt  }
0x5a: {  	_ =	shalt  }
0x5b: {  	_ =	shalt  }
0x5c: {  	_ =	shalt  }
0x5d: {  	_ =	shalt  }
0x5e: {  	_ =	shalt  }
0x5f: {  	_ =	shalt  }
0x60: {  	_ =	shalt  }
0x61: {  	_ =	shalt  }
0x62: {  	_ =	shalt  }
0x63: {  	_ =	shalt  }
0x64: {  	_ =	shalt  }
0x65: {  	_ =	shalt  }
0x66: {  	_ =	shalt  }
0x67: {  	_ =	shalt  }
0x68: {  	_ =	shalt  }
0x69: {  	_ =	shalt  }
0x6a: {  	_ =	shalt  }
0x6b: {  	_ =	shalt  }
0x6c: {  	_ =	shalt  }
0x6d: {  	_ =	shalt  }
0x6e: {  	_ =	shalt  }
0x6f: {  	_ =	shalt  }
0x70: {  	_ =	shalt  }
0x71: {  	_ =	shalt  }
0x72: {  	_ =	shalt  }
0x73: {  	_ =	shalt  }
0x74: {  	_ =	shalt  }
0x75: {  	_ =	shalt  }
0x76: {  	_ =	shalt  }
0x77: {  	_ =	shalt  }
0x78: {  	_ =	shalt  }
0x79: {  	_ =	shalt  }
0x7a: {  	_ =	shalt  }
0x7b: {  	_ =	shalt  }
0x7c: {  	_ =	shalt  }
0x7d: {  	_ =	shalt  }
0x7e: {  	_ =	shalt  }
0x7f: {  	_ =	shalt  }
0x80: {  	_ =	shalt  }
0x81: {  	_ =	shalt  }
0x82: {  	_ =	shalt  }
0x83: {  	_ =	shalt  }
0x84: {  	_ =	shalt  }
0x85: {  	_ =	shalt  }
0x86: {  	_ =	shalt  }
0x87: {  	_ =	shalt  }
.Lfunc_end0:
.L_simem_size_0:
called_computation_lowered:
.L_overlay_start_0:
0x88: {  	s2 =	sld [smem:$0x3FD9]  }
0x89: {  	s3 =	sld [smem:$0x3FFE];
	_ =	sdelay $0x1  }
0x8a: {  	s1 =	srdreg.scid  }
0x8b: {  	s0 =	sand.u32 $0x1, s1  }
0x8c: {  	s14 =	sshll.u32 s0, $0xA;
	s2 =	sadd.s32 s3, s2  }
0x8d: {  	s2 =	sadd.s32 s2, s14  }
0x8e: {  	[smem:$0x3F5A] =	sst s2  }
0x8f: {  	_ = 	snop  }
0x90: {  	s2 =	sld [smem:$0x3FD0];
	_ =	sdelay $0x2  }
0x91: {  	s15 =	simm.s32 $0xA;
	s4 =	simm.s32 $0x10  }
0x92: {  	[smem:s4], [sflag:s15] =	dma.local [hbm:s2], $0x1  }
0x93: {  	_ =	swait.eq [sflag:s15], $0x1  }
0x94: {  	[sflag:s15] =	ssyncset.done $0x0  }
0x95: {  	[sflag:s15] =	ssyncadd.s32 $0xFFFFFFFF  }
0x96: {  	s16 =	sld [smem:$0x10];
	(tm) =	ssettm $0x1  }
0x97: {  	s17 =	sld [smem:$0x3FFB];
	_ =	sdelay $0x3  }
0x98: {  	_ =	strace s17  }
0x99: {  	s3 =	sld [smem:$0x3FFC];
	_ =	sdelay $0x3  }
0x9a: {  	_ =	strace s3  }
0x9b: {  	s3 =	sld [smem:$0x3FFD];
	_ =	sdelay $0x3  }
0x9c: {  	_ =	strace s3  }
0x9d: {  	_ =	strace $0x8FFFFFFF  }
0x9e: {  	s18 =	sld [smem:$0x3FDB];
	_ =	sdelay $0x1  }
0x9f: {  	s19 =	simm.s32 $_scs_section_size  }
0xa0: {  	s5 =	simm.s32 $_size__tile_overlayer_lowered;
	s6 =	simm.s32 $_tile_overlayer_lowered  }
0xa1: {  	s22 =	simm.s32 $0x1BFF;
	s21 =	sshll.u32 s6, $0x1;
	s3 =	sadd.s32 s19, s18  }
0xa2: {  	s7 =	simm.s32 $0x0;
	s20 =	sshll.u32 s5, $0x1;
	s5 =	sadd.s32 s21, s3  }
0xa3: {  	[timem:s7], [sflag:s22] =	dma.local [hbm:s5], s20  }
0xa4: {  	_ =	swait.ge [sflag:s22], s20  }
0xa5: {  	s4 =	ssub.s32 $0x0, s20;
	[sflag:s22] =	ssyncset.done $0x0  }
0xa6: {  	[sflag:s22] =	ssyncadd.s32 s4;
	_ =	sdelay $0x1  }
0xa7: {  	s23 =	simm.s32 $0x1B8B  }
0xa8: {  	_ =	swait.ge [sflag:s23], $0x1  }
0xa9: {  	[sflag:s23] =	ssyncset.done $0x0  }
0xaa: {  	s25 =	simm.s32 $0x1B8E;
	s24 =	sld [smem:$0x3FFE];
	[sflag:s23] =	ssyncadd.s32 $0xFFFFFFFF  }
0xab: {  	s26 =	simm.s32 $execute0_lowered;
	[smem:$0x3FD2] =	sst s25  }
0xac: {  	s5 =	sshll.u32 s26, $0x1;
	_ =	strace $0x80000046;
	[dreg:$0x1] =	wrdreg $0xFFFFFFFF  }
0xad: {  	s28 =	simm.s32 $_size_execute0_lowered;
	s3 =	sadd.s32 s3, s5;
	[dreg:$0x0] =	wrdreg $0x0  }
0xae: {  	s5 =	sshll.u32 s28, $0x1;
	[dreg:$0x2] =	wrdreg s3  }
0xaf: {  	[dreg:$0x3] =	wrdreg s5  }
0xb0: {  	[dreg:$0x4] =	wrdreg $0xC0  }
0xb1: {  	_ =	task [dreg:s7], $0x5FFFF  }
0xb2: {  	[dreg:$0x1] =	wrdreg $0xFFFFFFFF  }
0xb3: {  	[dreg:$0x0] =	wrdreg $0x60  }
0xb4: {  	[dreg:$0x2] =	wrdreg s24  }
0xb5: {  	[dreg:$0x3] =	wrdreg s16  }
0xb6: {  	[dreg:$0x4] =	wrdreg $0x9  }
0xb7: {  	_ =	task.clear_ibuf [dreg:s7], $0x5FFFF;
	_ =	strace $0x90000046  }
0xb8: {  	s29 =	simm.s32 $0x9;
	_ =	strace $0x80000048  }
0xb9: {  	_ =	swait.ge [sflag:s29], $0x1  }
0xba: {  	[sflag:s29] =	ssyncadd.s32 $0xFFFFFFFF  }
0xbb: {  	_ =	strace $0x90000048  }
0xbc: {  	_ =	sfence  }
0xbd: {  	s30 =	sld [smem:$0x0];
	_ =	sdelay $0x2  }
0xbe: {  	s31 =	sshll.u32 s1, $0xD;
	s1 =	sshrl.u32 s1, $0x2  }
0xbf: {  	s3 =	sand.u32 $0x4000, s31;
	s1 =	sadd.s32 s1, s30  }
0xc0: {  	s0 =	sor.u32 s3, s0;
	s1 =	sshll.u32 s1, $0x11  }
0xc1: {  	s0 =	sor.u32 s1, s0  }
0xc2: {  	s0 =	sadd.s32 $0x8F2B, s0  }
0xc3: {  	[sflag:s0] =	ssyncadd.remote.s32 $0x1  }
0xc4: {  	_ =	sfence.sel $0xFFFF  }
0xc5: {  	[dreg:$0x0] =	wrdreg $0xFFFFFFFF;
	(pc) =	sbr.abs _section_cstart, $3  }
0xc6: {  	[dreg:$0x1] =	wrdreg $0xFFFFFFFF  }
0xc7: {  	_ =	task.clear_ibuf [dreg:s7], $0x2FFFF;
	_ =	strace $0x9FFFFFFF  }
0xc8: {  	(tm) =	ssettm $0x7FFFFFFF  }
0xc9: {  	_ =	shalt  }
tec
execute0_lowered:
.L_overlay_start_1:
0x0: {  	(tag) =	ssettag $0x1  }
0x1: {  	s1 =	srdreg.scid;
	s2 =	rddreg [dreg:$0x0]  }
0x2: {  	s0 =	stileid.u32;
	s4 =	rddreg [dreg:$0x1];
	s6 =	sand.u32 $0x1, s1  }
0x3: {  	s3 =	simm.s32 $0x0;
	s5 =	sshll.u32 s0, $0x6;
	s7 =	sshll.u32 s6, $0x5  }
0x4: {  	[smem:$0x7FF] =	sst s3;
	s9 =	sor.u32 s7, s5  }
0x5: {  	s1 =	rddreg [dreg:$0x2];
	_ =	strace $0x80000047;
	s5 =	sshrl.u32 s9, $0x3  }
0x6: {  	s10 =	ssub.s32 $0x2, s6;
	s5 =	sadd.s32 s4, s5;
	s4 =	simm.s32 $0x2  }
0x7: {  	[tilespmem:s3], [sflag:$0x2] =	stream.linear.gather [hbm4b:s5+s3], $0x20, $0x38;
	[tilespmem:$0x1080] =	vst v63  }
0x8: {  	s8 =	simm.s32 $0x1;
	s11 =	sshrl.u32 s10, $0x1;
	_ =	swait.ge [sflag:s4], $0x20  }
0x9: {  	s6 =	simm.s32 $0x20;
	s10 =	ssub.s32 s10, s11;
	[sflag:s4] =	ssyncset.done $0x0  }
0xa: {  	s7 =	simm.s32 $0x80;
	s10 =	smax.u32 s10, $0x1;
	[sflag:s4] =	ssyncadd.s32 $0xFFFFFFE0  }
0xb: {  	[tilespmem:s7], [sflag:$0x1] =	stream.indirect.gather [hbm4b:s2+s6], $0x80, s3, s6, $0xb8;
	[tilespmem:$0x1080] =	vst v63  }
0xc: {  	s9 =	sshll.u32 s9, $0x4;
	p0 =	sne.s32 s10, $0x1;
	_ =	swait.ge [sflag:s8], $0x1000  }
.Ltmp0:
0xd: {  	s9 =	sadd.s32 s9, s2;
	[sflag:s8] =	ssyncset.done $0x0;
	(pc) =	sbr.rel @!p0 .LBB2_2-.Ltmp0, $4  }
0xe: {  	s9 =	sadd.s32 $0x20000, s9;
	[sflag:s8] =	ssyncadd.s32 $0xFFFFF000  }
0xf: {  	[hbm4b:s9+s3] =	stream.linear.scatter [tilespmem:s7], [sflag:$0x2], $0x1000, $0x38;
	[tilespmem:$0x1080] =	vst v63  }
0x10: {  	_ =	swait.ge [sflag:s4], $0x1000  }
0x11: {  	s10 =	sadd.s32 $0xFFFFFFFF, s10;
	[sflag:s4] =	ssyncset.done $0x0  }
.LBB2_1:
0x12: {  	p0 =	sne.s32 s10, $0x1;
	s10 =	sadd.s32 $0xFFFFFFFF, s10;
	[sflag:s4] =	ssyncadd.s32 $0xFFFFF000  }
0x13: {  	[tilespmem:s3], [sflag:$0x2] =	stream.linear.gather [hbm4b:s5+s3], $0x20, $0x38;
	[tilespmem:$0x1080] =	vst v63  }
0x14: {  	_ =	swait.ge [sflag:s4], $0x20  }
0x15: {  	[sflag:s4] =	ssyncset.done $0x0  }
0x16: {  	[sflag:s4] =	ssyncadd.s32 $0xFFFFFFE0  }
0x17: {  	[tilespmem:s7], [sflag:$0x1] =	stream.indirect.gather [hbm4b:s2+s6], $0x80, s3, s6, $0xb8;
	[tilespmem:$0x1080] =	vst v63  }
0x18: {  	_ =	swait.ge [sflag:s8], $0x1000  }
.Ltmp1:
0x19: {  	[sflag:s8] =	ssyncset.done $0x0;
	(pc) =	sbr.rel @p0 .LBB2_1-.Ltmp1, $4  }
0x1a: {  	[sflag:s8] =	ssyncadd.s32 $0xFFFFF000  }
0x1b: {  	[hbm4b:s9+s3] =	stream.linear.scatter [tilespmem:s7], [sflag:$0x2], $0x1000, $0x38;
	[tilespmem:$0x1080] =	vst v63  }
0x1c: {  	_ =	swait.ge [sflag:s4], $0x1000  }
0x1d: {  	[sflag:s4] =	ssyncset.done $0x0  }
.LBB2_2:
0x1e: {  	[sflag:s4] =	ssyncadd.s32 $0xFFFFF000  }
0x1f: {  	_ =	sfence.sel $0x180000  }
0x20: {  	[bflag:$0x0] =	sbarrier.arrive $0xFFFF  }
0x21: {  	p0 =	sne.s32 s0, $0x0;
	_ =	strace $0x90000047  }
0x22: {  	s0 =	sadd.s32 @!p0 $0x100000, s1;
	[bflag:$0x2] =	sbarrier.arrive $0xFFFF  }
0x23: {  	[sflag:s0] =	ssyncadd.tile.s32 @!p0 $0x1;
	_ =	shalt  }
.Lfunc_end2:
_tile_overlayer_lowered:
.L_overlay_start_2:
0x24: {  	(tag) =	ssettag $0x2  }
0x25: {  	s0 =	rddreg [dreg:$0x0];
	s2 =	stileid.u32  }
0x26: {  	s1 =	rddreg [dreg:$0x1];
	p0 =	sne.s32 s2, $0x0  }
0x27: {  	s3 =	rddreg [dreg:$0x2];
	[bflag:$0x3] =	sbarrier.arrive $0xFFFF;
	s2 =	simm.s32 @!p0 $0x1C02  }
0x28: {  	[timem:s3], [sflag:s2] =	dma.local @!p0 [hbm:s0], s1  }
0x29: {  	s0 =	simm.s32 @!p0 $0x2  }
0x2a: {  	_ =	swait.ge @!p0 [sflag:s0], s1  }
0x2b: {  	s1 =	ssub.s32 @!p0 $0x0, s1;
	[sflag:s0] =	ssyncset.done @!p0 $0x0  }
0x2c: {  	[sflag:s0] =	ssyncadd.s32 @!p0 s1  }
0x2d: {  	[bflag:$0x3] =	sbarrier.arrive $0xFFFF  }
0x2e: {  	_ =	shalt  }

</sc_bundles>
